<compile_context>
chip_gen: v7x
topology: tpu7x:2x2x1
jax: 0.10.2.dev20260603
libtpu: 0.0.44.dev20260713+nightly
codegen_flags: <defaults>
</compile_context>

<pallas_src>
import jax
import jax.numpy as jnp
from jax import lax
from jax.experimental import pallas as pl
from jax.experimental.pallas import tpu as pltpu
from jax.experimental.pallas import tpu_sc as plsc

B = 16
C = 12288
HALF = C // 2
CHUNK = 96
ITERS = HALF // CHUNK


def _body(coords_hbm, na_hbm, out_hbm, buf, na_v, part_v, tmp_v, shared, sem):
    c = lax.axis_index("c")
    s = lax.axis_index("s")
    b = c * 8 + s // 2
    h = s % 2

    row_cp = pltpu.async_copy(
        coords_hbm.at[b, pl.ds(h * HALF, HALF)], buf, sem)
    pltpu.sync_copy(na_hbm, na_v)

    iota = lax.iota(jnp.int32, 16)
    nvec = na_v[...]
    bvec = jnp.zeros((16,), jnp.int32) + b
    n_vec = nvec.at[bvec].get(mode="promise_in_bounds")
    thr = 3 * n_vec - h * HALF
    valid = jnp.clip(thr[0], 0, HALF)
    full_iters = valid // CHUNK
    row_cp.wait()

    def body(i, accs):
        base = i * CHUNK
        acc = list(accs)
        for j in range(CHUNK // 16):
            acc[j] = acc[j] + buf[pl.ds(base + j * 16, 16)]
        return tuple(acc)

    zero = jnp.zeros((16,), jnp.float32)
    accs = lax.fori_loop(0, full_iters, body, (zero,) * 6)

    processed = full_iters * CHUNK
    base = jnp.minimum(full_iters, ITERS - 1) * CHUNK
    acc = list(accs)
    for j in range(CHUNK // 16):
        idx = iota + (base + j * 16)
        v = buf[pl.ds(base + j * 16, 16)]
        m = (idx < thr) & (idx >= processed)
        acc[j] = acc[j] + jnp.where(m, v, 0.0)
    accs = tuple(acc[j] + acc[j + 3] for j in range(3))

    part_v[...] = zero
    for j in range(3):
        comp = (iota + j * 16) % 3
        plsc.addupdate_scatter(part_v, [comp], accs[j])

    @pl.when(h == 1)
    def _():
        pltpu.sync_copy(part_v, shared.at[8 + c * 16 + s])

    plsc.subcore_barrier()

    @pl.when(h == 0)
    def _():
        pltpu.sync_copy(shared.at[8 + c * 16 + s + 1], tmp_v)
        nf = n_vec.astype(jnp.float32)
        part_v[...] = (part_v[...] + tmp_v[...]) / nf
        pltpu.sync_copy(part_v, out_hbm.at[c * 16 + s])


@jax.jit
def _center(input_coords, num_atoms):
    mesh = plsc.VectorSubcoreMesh(core_axis_name="c", subcore_axis_name="s")
    padded = pl.kernel(
        _body,
        mesh=mesh,
        out_type=jax.ShapeDtypeStruct((2 * B, 16), jnp.float32),
        scratch_types=[
            pltpu.VMEM((HALF,), jnp.float32),
            pltpu.VMEM((16,), jnp.int32),
            pltpu.VMEM((16,), jnp.float32),
            pltpu.VMEM((16,), jnp.float32),
            pltpu.VMEM_SHARED((40, 16), jnp.float32),
            pltpu.SemaphoreType.DMA,
        ],
        compiler_params=pltpu.CompilerParams(needs_layout_passes=False),
    )(input_coords, num_atoms)
    return padded[::2, :3]


def kernel(input_coords, num_atoms):
    return _center(input_coords, num_atoms.astype(jnp.int32))

# --- scband reference (transcript-rebuilt; emitter-appended) ---
"""Pipeline reference for scband-coords2-center-13932873908288 (READ-ONLY COPY).

The authoritative reference and input builder live on the scoring server;
editing this copy changes nothing except your own understanding.
"""

import jax, jax.numpy as jnp
import numpy as np


def setup_inputs(seed: int = 0) -> dict:
    key = jax.random.key(seed)
    k1, k2 = jax.random.split(key)
    input_coords = jax.random.normal(k1, (16, 12288), dtype=jnp.float32)
    # num_atoms must be >= 1 to avoid division by zero (the C++ kernel assumes valid counts)
    num_atoms = jax.random.randint(k2, (16,), 1, 4096, dtype=jnp.int64)
    return {"input_coords": input_coords, "num_atoms": num_atoms}


def reference(input_coords, num_atoms):
    # Coords2Center: input_coords [B, 3*max_atoms] flattened xyz coords,
    # num_atoms [B] actual atom counts. Output [B, 3] geometric center over
    # the first num_atoms[b] atoms of each sample.
    B, C = input_coords.shape
    max_atoms = C // 3
    coords = input_coords.reshape(B, max_atoms, 3)
    atom_ids = jnp.arange(max_atoms)
    mask = (atom_ids[None, :] < num_atoms[:, None]).astype(coords.dtype)  # [B, max_atoms]
    summed = jnp.sum(coords * mask[:, :, None], axis=1)  # [B, 3]
    center = summed / num_atoms.astype(coords.dtype)[:, None]
    return center

if __name__ == "__main__":
    import jax
    _d = setup_inputs()
    print(jax.jit(kernel)(*tuple(_d.values())))

</pallas_src>

<mosaic_0001>
#map = affine_map<(d0, d1) -> (0, 0)>
#map1 = affine_map<(d0, d1) -> (0)>
module attributes {stable_mosaic.version = 14 : i64} {
  func.func @_body(%arg0: i32, %arg1: i32, %arg2: memref<16x12288xf32, #tpu.memory_space<hbm>>, %arg3: memref<16xi32, #tpu.memory_space<hbm>>, %arg4: memref<32x16xf32, #tpu.memory_space<hbm>>, %arg5: memref<6144xf32, #tpu.memory_space<vmem>>, %arg6: memref<16xi32, #tpu.memory_space<vmem>>, %arg7: memref<16xf32, #tpu.memory_space<vmem>>, %arg8: memref<16xf32, #tpu.memory_space<vmem>>, %arg9: memref<40x16xf32, #tpu.memory_space<vmem_shared>>, %arg10: memref<!tpu.dma_semaphore, #tpu.memory_space<semaphore_mem>>) attributes {dimension_semantics = [#tpu.dimension_semantics<core_parallel>, #tpu.dimension_semantics<subcore_parallel>], iteration_bounds = array<i64: 2, 16>, scalar_prefetch = 0 : i64, scratch_operands = 6 : i64, tpu.core_type = #tpu.core_type<sc_vector_subcore>, window_params = [{transform_indices = #map}, {transform_indices = #map1}, {transform_indices = #map}]} {
    %mul3A = arith.constant 8 : i32
    %mul3A_0 = arith.muli %arg0, %mul3A : i32
    %jit3A = arith.constant 2 : i32
    %div3A = arith.divsi %arg1, %jit3A : i32
    %sign3A = arith.constant 0 : i32
    %sign3A_1 = arith.cmpi sgt, %arg1, %sign3A : i32
    %sign3A_2 = arith.extui %sign3A_1 : i1 to i32
    %sign3A_3 = arith.constant 0 : i32
    %sign3A_4 = arith.cmpi slt, %arg1, %sign3A_3 : i32
    %sign3A_5 = arith.extui %sign3A_4 : i1 to i32
    %sign3A_6 = arith.subi %sign3A_2, %sign3A_5 : i32
    %sign3A_7 = arith.constant 0 : i32
    %sign3A_8 = arith.cmpi sgt, %jit3A, %sign3A_7 : i32
    %sign3A_9 = arith.extui %sign3A_8 : i1 to i32
    %sign3A_10 = arith.constant 0 : i32
    %sign3A_11 = arith.cmpi slt, %jit3A, %sign3A_10 : i32
    %sign3A_12 = arith.extui %sign3A_11 : i1 to i32
    %sign3A_13 = arith.subi %sign3A_9, %sign3A_12 : i32
    %ne3A = arith.cmpi ne, %sign3A_6, %sign3A_13 : i32
    %rem3A = arith.remsi %arg1, %jit3A : i32
    %ne3A_14 = arith.constant 0 : i32
    %ne3A_15 = arith.cmpi ne, %rem3A, %ne3A_14 : i32
    %and3A = arith.andi %ne3A, %ne3A_15 : i1
    %sub3A = arith.constant 1 : i32
    %sub3A_16 = arith.subi %div3A, %sub3A : i32
    %select_n3A = arith.select %and3A, %sub3A_16, %div3A : i32
    %add3A = arith.addi %mul3A_0, %select_n3A : i32
    %jit3A_17 = arith.constant 2 : i32
    %eq3A = arith.constant 0 : i32
    %eq3A_18 = arith.cmpi eq, %jit3A_17, %eq3A : i32
    %jit3A_19 = arith.constant 1 : i32
    %select_n3A_20 = arith.select %eq3A_18, %jit3A_19, %jit3A_17 : i32
    %rem3A_21 = arith.remsi %arg1, %select_n3A_20 : i32
    %ne3A_22 = arith.constant 0 : i32
    %ne3A_23 = arith.cmpi ne, %rem3A_21, %ne3A_22 : i32
    %lt3A = arith.constant 0 : i32
    %lt3A_24 = arith.cmpi slt, %rem3A_21, %lt3A : i32
    %lt3A_25 = arith.constant 0 : i32
    %lt3A_26 = arith.cmpi slt, %select_n3A_20, %lt3A_25 : i32
    %ne3A_27 = arith.xori %lt3A_24, %lt3A_26 : i1
    %and3A_28 = arith.andi %ne3A_27, %ne3A_23 : i1
    %add3A_29 = arith.addi %rem3A_21, %select_n3A_20 : i32
    %select_n3A_30 = arith.select %and3A_28, %add3A_29, %rem3A_21 : i32
    %mul3A_31 = arith.constant 6144 : i32
    %mul3A_32 = arith.muli %select_n3A_30, %mul3A_31 : i32
    %dma_start3A = tpu.memref_slice %arg2[%add3A, %mul3A_32] : memref<16x12288xf32, #tpu.memory_space<hbm>> -> memref<1x6144xf32, #tpu.memory_space<hbm>>
    %dma_start3A_33 = tpu.memref_squeeze %dma_start3A : memref<1x6144xf32, #tpu.memory_space<hbm>> -> memref<6144xf32, #tpu.memory_space<hbm>>
    %dma_start3A_34 = tpu.memref_slice %arg2[%add3A, %mul3A_32] : memref<16x12288xf32, #tpu.memory_space<hbm>> -> memref<1x6144xf32, #tpu.memory_space<hbm>>
    %dma_start3A_35 = tpu.memref_squeeze %dma_start3A_34 : memref<1x6144xf32, #tpu.memory_space<hbm>> -> memref<6144xf32, #tpu.memory_space<hbm>>
    tpu.enqueue_dma source(%dma_start3A_35 : memref<6144xf32, #tpu.memory_space<hbm>>) target(%arg5 : memref<6144xf32, #tpu.memory_space<vmem>>) target_semaphore(%arg10 : memref<!tpu.dma_semaphore, #tpu.memory_space<semaphore_mem>>)
    "tpu.region"() ({
      %run_scoped3A = tpu.sem_alloc : memref<!tpu.dma_semaphore, #tpu.memory_space<semaphore_mem>>
      tpu.enqueue_dma source(%arg3 : memref<16xi32, #tpu.memory_space<hbm>>) target(%arg6 : memref<16xi32, #tpu.memory_space<vmem>>) target_semaphore(%run_scoped3A : memref<!tpu.dma_semaphore, #tpu.memory_space<semaphore_mem>>)
      tpu.wait_dma2 semaphore(%run_scoped3A : memref<!tpu.dma_semaphore, #tpu.memory_space<semaphore_mem>>) src(%arg3 : memref<16xi32, #tpu.memory_space<hbm>>) dst(%arg6 : memref<16xi32, #tpu.memory_space<vmem>>)
      tpu.yield
    }) : () -> ()
    %iota3A = tpu.iota {dimensions = array<i32: 0>} : vector<16xi32>
    %get3A = arith.constant 0 : index
    %get3A_36 = tpu.vector_load %arg6[%get3A] {strides = array<i32>} : memref<16xi32, #tpu.memory_space<vmem>>, vector<16xi32>,
    %broadcast_in_dim3A = arith.constant 0 : i32
    %broadcast_in_dim3A_37 = vector.broadcast %broadcast_in_dim3A : i32 to vector<16xi32>
    %add3A_38 = vector.broadcast %add3A : i32 to vector<16xi32>
    %add3A_39 = arith.addi %broadcast_in_dim3A_37, %add3A_38 : vector<16xi32>
    %lt3A_40 = arith.constant 0 : i32
    %lt3A_41 = vector.broadcast %lt3A_40 : i32 to vector<16xi32>
    %lt3A_42 = arith.cmpi slt, %add3A_39, %lt3A_41 : vector<16xi32>
    %add3A_43 = arith.constant 16 : i32
    %add3A_44 = vector.broadcast %add3A_43 : i32 to vector<16xi32>
    %add3A_45 = arith.addi %add3A_39, %add3A_44 : vector<16xi32>
    %select_n3A_46 = arith.select %lt3A_42, %add3A_45, %add3A_39 : vector<16xi1>, vector<16xi32>
    %broadcast_in_dim3A_47 = vector.shape_cast %select_n3A_46 : vector<16xi32> to vector<16x1xi32>
    %gather3A = vector.shape_cast %broadcast_in_dim3A_47 : vector<16x1xi32> to vector<16xi32>
    %gather3A_48 = tpu.dynamic_gather %get3A_36[%gather3A] in [0] : vector<16xi32>, vector<16xi32> -> vector<16xi32>
    %mul3A_49 = arith.constant 3 : i32
    %mul3A_50 = vector.broadcast %mul3A_49 : i32 to vector<16xi32>
    %mul3A_51 = arith.muli %mul3A_50, %gather3A_48 : vector<16xi32>
    %mul3A_52 = arith.constant 6144 : i32
    %mul3A_53 = arith.muli %select_n3A_30, %mul3A_52 : i32
    %sub3A_54 = vector.broadcast %mul3A_53 : i32 to vector<16xi32>
    %sub3A_55 = arith.subi %mul3A_51, %sub3A_54 : vector<16xi32>
    %slice3A = vector.extract_strided_slice %sub3A_55 {offsets = [0], sizes = [1], strides = [1]} : vector<16xi32> to vector<1xi32>
    %squeeze3A = vector.extract %slice3A[0] : i32 from vector<1xi32>
    %jit3A_56 = arith.constant 0 : i32
    %jit3A_57 = arith.constant 6144 : i32
    %max3A = arith.maxsi %jit3A_56, %squeeze3A : i32
    %min3A = arith.minsi %jit3A_57, %max3A : i32
    %jit3A_58 = arith.constant 96 : i32
    %div3A_59 = arith.divsi %min3A, %jit3A_58 : i32
    %sign3A_60 = arith.constant 0 : i32
    %sign3A_61 = arith.cmpi sgt, %min3A, %sign3A_60 : i32
    %sign3A_62 = arith.extui %sign3A_61 : i1 to i32
    %sign3A_63 = arith.constant 0 : i32
    %sign3A_64 = arith.cmpi slt, %min3A, %sign3A_63 : i32
    %sign3A_65 = arith.extui %sign3A_64 : i1 to i32
    %sign3A_66 = arith.subi %sign3A_62, %sign3A_65 : i32
    %sign3A_67 = arith.constant 0 : i32
    %sign3A_68 = arith.cmpi sgt, %jit3A_58, %sign3A_67 : i32
    %sign3A_69 = arith.extui %sign3A_68 : i1 to i32
    %sign3A_70 = arith.constant 0 : i32
    %sign3A_71 = arith.cmpi slt, %jit3A_58, %sign3A_70 : i32
    %sign3A_72 = arith.extui %sign3A_71 : i1 to i32
    %sign3A_73 = arith.subi %sign3A_69, %sign3A_72 : i32
    %ne3A_74 = arith.cmpi ne, %sign3A_66, %sign3A_73 : i32
    %rem3A_75 = arith.remsi %min3A, %jit3A_58 : i32
    %ne3A_76 = arith.constant 0 : i32
    %ne3A_77 = arith.cmpi ne, %rem3A_75, %ne3A_76 : i32
    %and3A_78 = arith.andi %ne3A_74, %ne3A_77 : i1
    %sub3A_79 = arith.constant 1 : i32
    %sub3A_80 = arith.subi %div3A_59, %sub3A_79 : i32
    %select_n3A_81 = arith.select %and3A_78, %sub3A_80, %div3A_59 : i32
    %dma_wait3A = tpu.memref_slice %arg2[%add3A, %mul3A_32] : memref<16x12288xf32, #tpu.memory_space<hbm>> -> memref<1x6144xf32, #tpu.memory_space<hbm>>
    %dma_wait3A_82 = tpu.memref_squeeze %dma_wait3A : memref<1x6144xf32, #tpu.memory_space<hbm>> -> memref<6144xf32, #tpu.memory_space<hbm>>
    %dma_wait3A_83 = tpu.memref_slice %arg2[%add3A, %mul3A_32] : memref<16x12288xf32, #tpu.memory_space<hbm>> -> memref<1x6144xf32, #tpu.memory_space<hbm>>
    %dma_wait3A_84 = tpu.memref_squeeze %dma_wait3A_83 : memref<1x6144xf32, #tpu.memory_space<hbm>> -> memref<6144xf32, #tpu.memory_space<hbm>>
    tpu.wait_dma2 semaphore(%arg10 : memref<!tpu.dma_semaphore, #tpu.memory_space<semaphore_mem>>) src(%dma_wait3A_84 : memref<6144xf32, #tpu.memory_space<hbm>>) dst(%arg5 : memref<6144xf32, #tpu.memory_space<vmem>>)
    %broadcast_in_dim3A_85 = arith.constant 0.000000e+00 : f32
    %broadcast_in_dim3A_86 = vector.broadcast %broadcast_in_dim3A_85 : f32 to vector<16xf32>
    %while3A = arith.constant 0 : i32
    %while3A_87 = arith.subi %select_n3A_81, %while3A : i32
    %while3A_88 = arith.addi %while3A, %while3A_87 : i32
    %while3A_89 = arith.constant 1 : i32
    %while3A_90 = arith.divsi %while3A_87, %while3A_89 : i32
    %while3A_91 = arith.muli %while3A_90, %while3A_89 : i32
    %while3A_92 = arith.addi %while3A, %while3A_91 : i32
    %while3A_93 = arith.constant 1 : i32
    %while3A_94:6 = scf.for %while3A_285 = %while3A to %while3A_92 step %while3A_93 iter_args(%while3A_286 = %broadcast_in_dim3A_86, %while3A_287 = %broadcast_in_dim3A_86, %while3A_288 = %broadcast_in_dim3A_86, %while3A_289 = %broadcast_in_dim3A_86, %while3A_290 = %broadcast_in_dim3A_86, %while3A_291 = %broadcast_in_dim3A_86) -> (vector<16xf32>, vector<16xf32>, vector<16xf32>, vector<16xf32>, vector<16xf32>, vector<16xf32>)  : i32 {
      %mul3A_292 = arith.constant 96 : i32
      %mul3A_293 = arith.muli %while3A_285, %mul3A_292 : i32
      %add3A_294 = arith.constant 0 : i32
      %add3A_295 = arith.addi %mul3A_293, %add3A_294 : i32
      %get3A_296 = arith.index_cast %add3A_295 : i32 to index
      %get3A_297 = tpu.vector_load %arg5[%get3A_296] {strides = array<i32>} : memref<6144xf32, #tpu.memory_space<vmem>>, vector<16xf32>,
      %add3A_298 = arith.addf %while3A_286, %get3A_297 : vector<16xf32>
      %add3A_299 = arith.constant 16 : i32
      %add3A_300 = arith.addi %mul3A_293, %add3A_299 : i32
      %get3A_301 = arith.index_cast %add3A_300 : i32 to index
      %get3A_302 = tpu.vector_load %arg5[%get3A_301] {strides = array<i32>} : memref<6144xf32, #tpu.memory_space<vmem>>, vector<16xf32>,
      %add3A_303 = arith.addf %while3A_287, %get3A_302 : vector<16xf32>
      %add3A_304 = arith.constant 32 : i32
      %add3A_305 = arith.addi %mul3A_293, %add3A_304 : i32
      %get3A_306 = arith.index_cast %add3A_305 : i32 to index
      %get3A_307 = tpu.vector_load %arg5[%get3A_306] {strides = array<i32>} : memref<6144xf32, #tpu.memory_space<vmem>>, vector<16xf32>,
      %add3A_308 = arith.addf %while3A_288, %get3A_307 : vector<16xf32>
      %add3A_309 = arith.constant 48 : i32
      %add3A_310 = arith.addi %mul3A_293, %add3A_309 : i32
      %get3A_311 = arith.index_cast %add3A_310 : i32 to index
      %get3A_312 = tpu.vector_load %arg5[%get3A_311] {strides = array<i32>} : memref<6144xf32, #tpu.memory_space<vmem>>, vector<16xf32>,
      %add3A_313 = arith.addf %while3A_289, %get3A_312 : vector<16xf32>
      %add3A_314 = arith.constant 64 : i32
      %add3A_315 = arith.addi %mul3A_293, %add3A_314 : i32
      %get3A_316 = arith.index_cast %add3A_315 : i32 to index
      %get3A_317 = tpu.vector_load %arg5[%get3A_316] {strides = array<i32>} : memref<6144xf32, #tpu.memory_space<vmem>>, vector<16xf32>,
      %add3A_318 = arith.addf %while3A_290, %get3A_317 : vector<16xf32>
      %add3A_319 = arith.constant 80 : i32
      %add3A_320 = arith.addi %mul3A_293, %add3A_319 : i32
      %get3A_321 = arith.index_cast %add3A_320 : i32 to index
      %get3A_322 = tpu.vector_load %arg5[%get3A_321] {strides = array<i32>} : memref<6144xf32, #tpu.memory_space<vmem>>, vector<16xf32>,
      %add3A_323 = arith.addf %while3A_291, %get3A_322 : vector<16xf32>
      scf.yield %add3A_298, %add3A_303, %add3A_308, %add3A_313, %add3A_318, %add3A_323 : vector<16xf32>, vector<16xf32>, vector<16xf32>, vector<16xf32>, vector<16xf32>, vector<16xf32>
    }
    %while3A_95 = arith.constant 1 : i32
    %while3A_96:6 = scf.for %while3A_285 = %while3A_92 to %while3A_88 step %while3A_95 iter_args(%while3A_286 = %while3A_94#0, %while3A_287 = %while3A_94#1, %while3A_288 = %while3A_94#2, %while3A_289 = %while3A_94#3, %while3A_290 = %while3A_94#4, %while3A_291 = %while3A_94#5) -> (vector<16xf32>, vector<16xf32>, vector<16xf32>, vector<16xf32>, vector<16xf32>, vector<16xf32>)  : i32 {
      %mul3A_292 = arith.constant 96 : i32
      %mul3A_293 = arith.muli %while3A_285, %mul3A_292 : i32
      %add3A_294 = arith.constant 0 : i32
      %add3A_295 = arith.addi %mul3A_293, %add3A_294 : i32
      %get3A_296 = arith.index_cast %add3A_295 : i32 to index
      %get3A_297 = tpu.vector_load %arg5[%get3A_296] {strides = array<i32>} : memref<6144xf32, #tpu.memory_space<vmem>>, vector<16xf32>,
      %add3A_298 = arith.addf %while3A_286, %get3A_297 : vector<16xf32>
      %add3A_299 = arith.constant 16 : i32
      %add3A_300 = arith.addi %mul3A_293, %add3A_299 : i32
      %get3A_301 = arith.index_cast %add3A_300 : i32 to index
      %get3A_302 = tpu.vector_load %arg5[%get3A_301] {strides = array<i32>} : memref<6144xf32, #tpu.memory_space<vmem>>, vector<16xf32>,
      %add3A_303 = arith.addf %while3A_287, %get3A_302 : vector<16xf32>
      %add3A_304 = arith.constant 32 : i32
      %add3A_305 = arith.addi %mul3A_293, %add3A_304 : i32
      %get3A_306 = arith.index_cast %add3A_305 : i32 to index
      %get3A_307 = tpu.vector_load %arg5[%get3A_306] {strides = array<i32>} : memref<6144xf32, #tpu.memory_space<vmem>>, vector<16xf32>,
      %add3A_308 = arith.addf %while3A_288, %get3A_307 : vector<16xf32>
      %add3A_309 = arith.constant 48 : i32
      %add3A_310 = arith.addi %mul3A_293, %add3A_309 : i32
      %get3A_311 = arith.index_cast %add3A_310 : i32 to index
      %get3A_312 = tpu.vector_load %arg5[%get3A_311] {strides = array<i32>} : memref<6144xf32, #tpu.memory_space<vmem>>, vector<16xf32>,
      %add3A_313 = arith.addf %while3A_289, %get3A_312 : vector<16xf32>
      %add3A_314 = arith.constant 64 : i32
      %add3A_315 = arith.addi %mul3A_293, %add3A_314 : i32
      %get3A_316 = arith.index_cast %add3A_315 : i32 to index
      %get3A_317 = tpu.vector_load %arg5[%get3A_316] {strides = array<i32>} : memref<6144xf32, #tpu.memory_space<vmem>>, vector<16xf32>,
      %add3A_318 = arith.addf %while3A_290, %get3A_317 : vector<16xf32>
      %add3A_319 = arith.constant 80 : i32
      %add3A_320 = arith.addi %mul3A_293, %add3A_319 : i32
      %get3A_321 = arith.index_cast %add3A_320 : i32 to index
      %get3A_322 = tpu.vector_load %arg5[%get3A_321] {strides = array<i32>} : memref<6144xf32, #tpu.memory_space<vmem>>, vector<16xf32>,
      %add3A_323 = arith.addf %while3A_291, %get3A_322 : vector<16xf32>
      scf.yield %add3A_298, %add3A_303, %add3A_308, %add3A_313, %add3A_318, %add3A_323 : vector<16xf32>, vector<16xf32>, vector<16xf32>, vector<16xf32>, vector<16xf32>, vector<16xf32>
    }
    %mul3A_97 = arith.constant 96 : i32
    %mul3A_98 = arith.muli %select_n3A_81, %mul3A_97 : i32
    %min3A_99 = arith.constant 63 : i32
    %min3A_100 = arith.minsi %select_n3A_81, %min3A_99 : i32
    %mul3A_101 = arith.constant 96 : i32
    %mul3A_102 = arith.muli %min3A_100, %mul3A_101 : i32
    %add3A_103 = arith.constant 0 : i32
    %add3A_104 = arith.addi %mul3A_102, %add3A_103 : i32
    %add3A_105 = vector.broadcast %add3A_104 : i32 to vector<16xi32>
    %add3A_106 = arith.addi %iota3A, %add3A_105 : vector<16xi32>
    %add3A_107 = arith.constant 0 : i32
    %add3A_108 = arith.addi %mul3A_102, %add3A_107 : i32
    %get3A_109 = arith.index_cast %add3A_108 : i32 to index
    %get3A_110 = tpu.vector_load %arg5[%get3A_109] {strides = array<i32>} : memref<6144xf32, #tpu.memory_space<vmem>>, vector<16xf32>,
    %lt3A_111 = arith.cmpi slt, %add3A_106, %sub3A_55 : vector<16xi32>
    %ge3A = vector.broadcast %mul3A_98 : i32 to vector<16xi32>
    %ge3A_112 = arith.cmpi sge, %add3A_106, %ge3A : vector<16xi32>
    %and3A_113 = arith.andi %lt3A_111, %ge3A_112 : vector<16xi1>
    %jit3A_114 = arith.constant 0.000000e+00 : f32
    %broadcast_in_dim3A_115 = vector.broadcast %jit3A_114 : f32 to vector<16xf32>
    %select_n3A_116 = arith.select %and3A_113, %get3A_110, %broadcast_in_dim3A_115 : vector<16xi1>, vector<16xf32>
    %add3A_117 = arith.addf %while3A_96#0, %select_n3A_116 : vector<16xf32>
    %add3A_118 = arith.constant 16 : i32
    %add3A_119 = arith.addi %mul3A_102, %add3A_118 : i32
    %add3A_120 = vector.broadcast %add3A_119 : i32 to vector<16xi32>
    %add3A_121 = arith.addi %iota3A, %add3A_120 : vector<16xi32>
    %add3A_122 = arith.constant 16 : i32
    %add3A_123 = arith.addi %mul3A_102, %add3A_122 : i32
    %get3A_124 = arith.index_cast %add3A_123 : i32 to index
    %get3A_125 = tpu.vector_load %arg5[%get3A_124] {strides = array<i32>} : memref<6144xf32, #tpu.memory_space<vmem>>, vector<16xf32>,
    %lt3A_126 = arith.cmpi slt, %add3A_121, %sub3A_55 : vector<16xi32>
    %ge3A_127 = vector.broadcast %mul3A_98 : i32 to vector<16xi32>
    %ge3A_128 = arith.cmpi sge, %add3A_121, %ge3A_127 : vector<16xi32>
    %and3A_129 = arith.andi %lt3A_126, %ge3A_128 : vector<16xi1>
    %jit3A_130 = arith.constant 0.000000e+00 : f32
    %broadcast_in_dim3A_131 = vector.broadcast %jit3A_130 : f32 to vector<16xf32>
    %select_n3A_132 = arith.select %and3A_129, %get3A_125, %broadcast_in_dim3A_131 : vector<16xi1>, vector<16xf32>
    %add3A_133 = arith.addf %while3A_96#1, %select_n3A_132 : vector<16xf32>
    %add3A_134 = arith.constant 32 : i32
    %add3A_135 = arith.addi %mul3A_102, %add3A_134 : i32
    %add3A_136 = vector.broadcast %add3A_135 : i32 to vector<16xi32>
    %add3A_137 = arith.addi %iota3A, %add3A_136 : vector<16xi32>
    %add3A_138 = arith.constant 32 : i32
    %add3A_139 = arith.addi %mul3A_102, %add3A_138 : i32
    %get3A_140 = arith.index_cast %add3A_139 : i32 to index
    %get3A_141 = tpu.vector_load %arg5[%get3A_140] {strides = array<i32>} : memref<6144xf32, #tpu.memory_space<vmem>>, vector<16xf32>,
    %lt3A_142 = arith.cmpi slt, %add3A_137, %sub3A_55 : vector<16xi32>
    %ge3A_143 = vector.broadcast %mul3A_98 : i32 to vector<16xi32>
    %ge3A_144 = arith.cmpi sge, %add3A_137, %ge3A_143 : vector<16xi32>
    %and3A_145 = arith.andi %lt3A_142, %ge3A_144 : vector<16xi1>
    %jit3A_146 = arith.constant 0.000000e+00 : f32
    %broadcast_in_dim3A_147 = vector.broadcast %jit3A_146 : f32 to vector<16xf32>
    %select_n3A_148 = arith.select %and3A_145, %get3A_141, %broadcast_in_dim3A_147 : vector<16xi1>, vector<16xf32>
    %add3A_149 = arith.addf %while3A_96#2, %select_n3A_148 : vector<16xf32>
    %add3A_150 = arith.constant 48 : i32
    %add3A_151 = arith.addi %mul3A_102, %add3A_150 : i32
    %add3A_152 = vector.broadcast %add3A_151 : i32 to vector<16xi32>
    %add3A_153 = arith.addi %iota3A, %add3A_152 : vector<16xi32>
    %add3A_154 = arith.constant 48 : i32
    %add3A_155 = arith.addi %mul3A_102, %add3A_154 : i32
    %get3A_156 = arith.index_cast %add3A_155 : i32 to index
    %get3A_157 = tpu.vector_load %arg5[%get3A_156] {strides = array<i32>} : memref<6144xf32, #tpu.memory_space<vmem>>, vector<16xf32>,
    %lt3A_158 = arith.cmpi slt, %add3A_153, %sub3A_55 : vector<16xi32>
    %ge3A_159 = vector.broadcast %mul3A_98 : i32 to vector<16xi32>
    %ge3A_160 = arith.cmpi sge, %add3A_153, %ge3A_159 : vector<16xi32>
    %and3A_161 = arith.andi %lt3A_158, %ge3A_160 : vector<16xi1>
    %jit3A_162 = arith.constant 0.000000e+00 : f32
    %broadcast_in_dim3A_163 = vector.broadcast %jit3A_162 : f32 to vector<16xf32>
    %select_n3A_164 = arith.select %and3A_161, %get3A_157, %broadcast_in_dim3A_163 : vector<16xi1>, vector<16xf32>
    %add3A_165 = arith.addf %while3A_96#3, %select_n3A_164 : vector<16xf32>
    %add3A_166 = arith.constant 64 : i32
    %add3A_167 = arith.addi %mul3A_102, %add3A_166 : i32
    %add3A_168 = vector.broadcast %add3A_167 : i32 to vector<16xi32>
    %add3A_169 = arith.addi %iota3A, %add3A_168 : vector<16xi32>
    %add3A_170 = arith.constant 64 : i32
    %add3A_171 = arith.addi %mul3A_102, %add3A_170 : i32
    %get3A_172 = arith.index_cast %add3A_171 : i32 to index
    %get3A_173 = tpu.vector_load %arg5[%get3A_172] {strides = array<i32>} : memref<6144xf32, #tpu.memory_space<vmem>>, vector<16xf32>,
    %lt3A_174 = arith.cmpi slt, %add3A_169, %sub3A_55 : vector<16xi32>
    %ge3A_175 = vector.broadcast %mul3A_98 : i32 to vector<16xi32>
    %ge3A_176 = arith.cmpi sge, %add3A_169, %ge3A_175 : vector<16xi32>
    %and3A_177 = arith.andi %lt3A_174, %ge3A_176 : vector<16xi1>
    %jit3A_178 = arith.constant 0.000000e+00 : f32
    %broadcast_in_dim3A_179 = vector.broadcast %jit3A_178 : f32 to vector<16xf32>
    %select_n3A_180 = arith.select %and3A_177, %get3A_173, %broadcast_in_dim3A_179 : vector<16xi1>, vector<16xf32>
    %add3A_181 = arith.addf %while3A_96#4, %select_n3A_180 : vector<16xf32>
    %add3A_182 = arith.constant 80 : i32
    %add3A_183 = arith.addi %mul3A_102, %add3A_182 : i32
    %add3A_184 = vector.broadcast %add3A_183 : i32 to vector<16xi32>
    %add3A_185 = arith.addi %iota3A, %add3A_184 : vector<16xi32>
    %add3A_186 = arith.constant 80 : i32
    %add3A_187 = arith.addi %mul3A_102, %add3A_186 : i32
    %get3A_188 = arith.index_cast %add3A_187 : i32 to index
    %get3A_189 = tpu.vector_load %arg5[%get3A_188] {strides = array<i32>} : memref<6144xf32, #tpu.memory_space<vmem>>, vector<16xf32>,
    %lt3A_190 = arith.cmpi slt, %add3A_185, %sub3A_55 : vector<16xi32>
    %ge3A_191 = vector.broadcast %mul3A_98 : i32 to vector<16xi32>
    %ge3A_192 = arith.cmpi sge, %add3A_185, %ge3A_191 : vector<16xi32>
    %and3A_193 = arith.andi %lt3A_190, %ge3A_192 : vector<16xi1>
    %jit3A_194 = arith.constant 0.000000e+00 : f32
    %broadcast_in_dim3A_195 = vector.broadcast %jit3A_194 : f32 to vector<16xf32>
    %select_n3A_196 = arith.select %and3A_193, %get3A_189, %broadcast_in_dim3A_195 : vector<16xi1>, vector<16xf32>
    %add3A_197 = arith.addf %while3A_96#5, %select_n3A_196 : vector<16xf32>
    %add3A_198 = arith.addf %add3A_117, %add3A_165 : vector<16xf32>
    %add3A_199 = arith.addf %add3A_133, %add3A_181 : vector<16xf32>
    %add3A_200 = arith.addf %add3A_149, %add3A_197 : vector<16xf32>
    %swap3A = arith.constant 0 : index
    %swap3A_201 = tpu.vector_load %arg7[%swap3A] {strides = array<i32>} : memref<16xf32, #tpu.memory_space<vmem>>, vector<16xf32>,
    tpu.vector_store %arg7[%swap3A], %broadcast_in_dim3A_86 {strides = array<i32>} : memref<16xf32, #tpu.memory_space<vmem>>, vector<16xf32>,
    %add3A_202 = arith.constant 0 : i32
    %add3A_203 = vector.broadcast %add3A_202 : i32 to vector<16xi32>
    %add3A_204 = arith.addi %iota3A, %add3A_203 : vector<16xi32>
    %jit3A_205 = arith.constant 3 : i32
    %eq3A_206 = arith.constant 0 : i32
    %eq3A_207 = arith.cmpi eq, %jit3A_205, %eq3A_206 : i32
    %jit3A_208 = arith.constant 1 : i32
    %select_n3A_209 = arith.select %eq3A_207, %jit3A_208, %jit3A_205 : i32
    %rem3A_210 = vector.broadcast %select_n3A_209 : i32 to vector<16xi32>
    %rem3A_211 = arith.remsi %add3A_204, %rem3A_210 : vector<16xi32>
    %ne3A_212 = arith.constant 0 : i32
    %ne3A_213 = vector.broadcast %ne3A_212 : i32 to vector<16xi32>
    %ne3A_214 = arith.cmpi ne, %rem3A_211, %ne3A_213 : vector<16xi32>
    %lt3A_215 = arith.constant 0 : i32
    %lt3A_216 = vector.broadcast %lt3A_215 : i32 to vector<16xi32>
    %lt3A_217 = arith.cmpi slt, %rem3A_211, %lt3A_216 : vector<16xi32>
    %lt3A_218 = arith.constant 0 : i32
    %lt3A_219 = arith.cmpi slt, %select_n3A_209, %lt3A_218 : i32
    %ne3A_220 = vector.broadcast %lt3A_219 : i1 to vector<16xi1>
    %ne3A_221 = vector.broadcast %ne3A_220 : vector<16xi1> to vector<16xi1>
    %ne3A_222 = arith.xori %lt3A_217, %ne3A_221 : vector<16xi1>
    %and3A_223 = arith.andi %ne3A_222, %ne3A_214 : vector<16xi1>
    %add3A_224 = vector.broadcast %select_n3A_209 : i32 to vector<16xi32>
    %add3A_225 = arith.addi %rem3A_211, %add3A_224 : vector<16xi32>
    %select_n3A_226 = arith.select %and3A_223, %add3A_225, %rem3A_211 : vector<16xi1>, vector<16xi32>
    tpu.vector_store_idx %arg7[%select_n3A_226], %add3A_198 {add = true} : memref<16xf32, #tpu.memory_space<vmem>>[vector<16xi32>], vector<16xf32>,
    %add3A_227 = arith.constant 16 : i32
    %add3A_228 = vector.broadcast %add3A_227 : i32 to vector<16xi32>
    %add3A_229 = arith.addi %iota3A, %add3A_228 : vector<16xi32>
    %jit3A_230 = arith.constant 3 : i32
    %eq3A_231 = arith.constant 0 : i32
    %eq3A_232 = arith.cmpi eq, %jit3A_230, %eq3A_231 : i32
    %jit3A_233 = arith.constant 1 : i32
    %select_n3A_234 = arith.select %eq3A_232, %jit3A_233, %jit3A_230 : i32
    %rem3A_235 = vector.broadcast %select_n3A_234 : i32 to vector<16xi32>
    %rem3A_236 = arith.remsi %add3A_229, %rem3A_235 : vector<16xi32>
    %ne3A_237 = arith.constant 0 : i32
    %ne3A_238 = vector.broadcast %ne3A_237 : i32 to vector<16xi32>
    %ne3A_239 = arith.cmpi ne, %rem3A_236, %ne3A_238 : vector<16xi32>
    %lt3A_240 = arith.constant 0 : i32
    %lt3A_241 = vector.broadcast %lt3A_240 : i32 to vector<16xi32>
    %lt3A_242 = arith.cmpi slt, %rem3A_236, %lt3A_241 : vector<16xi32>
    %lt3A_243 = arith.constant 0 : i32
    %lt3A_244 = arith.cmpi slt, %select_n3A_234, %lt3A_243 : i32
    %ne3A_245 = vector.broadcast %lt3A_244 : i1 to vector<16xi1>
    %ne3A_246 = vector.broadcast %ne3A_245 : vector<16xi1> to vector<16xi1>
    %ne3A_247 = arith.xori %lt3A_242, %ne3A_246 : vector<16xi1>
    %and3A_248 = arith.andi %ne3A_247, %ne3A_239 : vector<16xi1>
    %add3A_249 = vector.broadcast %select_n3A_234 : i32 to vector<16xi32>
    %add3A_250 = arith.addi %rem3A_236, %add3A_249 : vector<16xi32>
    %select_n3A_251 = arith.select %and3A_248, %add3A_250, %rem3A_236 : vector<16xi1>, vector<16xi32>
    tpu.vector_store_idx %arg7[%select_n3A_251], %add3A_199 {add = true} : memref<16xf32, #tpu.memory_space<vmem>>[vector<16xi32>], vector<16xf32>,
    %add3A_252 = arith.constant 32 : i32
    %add3A_253 = vector.broadcast %add3A_252 : i32 to vector<16xi32>
    %add3A_254 = arith.addi %iota3A, %add3A_253 : vector<16xi32>
    %jit3A_255 = arith.constant 3 : i32
    %eq3A_256 = arith.constant 0 : i32
    %eq3A_257 = arith.cmpi eq, %jit3A_255, %eq3A_256 : i32
    %jit3A_258 = arith.constant 1 : i32
    %select_n3A_259 = arith.select %eq3A_257, %jit3A_258, %jit3A_255 : i32
    %rem3A_260 = vector.broadcast %select_n3A_259 : i32 to vector<16xi32>
    %rem3A_261 = arith.remsi %add3A_254, %rem3A_260 : vector<16xi32>
    %ne3A_262 = arith.constant 0 : i32
    %ne3A_263 = vector.broadcast %ne3A_262 : i32 to vector<16xi32>
    %ne3A_264 = arith.cmpi ne, %rem3A_261, %ne3A_263 : vector<16xi32>
    %lt3A_265 = arith.constant 0 : i32
    %lt3A_266 = vector.broadcast %lt3A_265 : i32 to vector<16xi32>
    %lt3A_267 = arith.cmpi slt, %rem3A_261, %lt3A_266 : vector<16xi32>
    %lt3A_268 = arith.constant 0 : i32
    %lt3A_269 = arith.cmpi slt, %select_n3A_259, %lt3A_268 : i32
    %ne3A_270 = vector.broadcast %lt3A_269 : i1 to vector<16xi1>
    %ne3A_271 = vector.broadcast %ne3A_270 : vector<16xi1> to vector<16xi1>
    %ne3A_272 = arith.xori %lt3A_267, %ne3A_271 : vector<16xi1>
    %and3A_273 = arith.andi %ne3A_272, %ne3A_264 : vector<16xi1>
    %add3A_274 = vector.broadcast %select_n3A_259 : i32 to vector<16xi32>
    %add3A_275 = arith.addi %rem3A_261, %add3A_274 : vector<16xi32>
    %select_n3A_276 = arith.select %and3A_273, %add3A_275, %rem3A_261 : vector<16xi1>, vector<16xi32>
    tpu.vector_store_idx %arg7[%select_n3A_276], %add3A_200 {add = true} : memref<16xf32, #tpu.memory_space<vmem>>[vector<16xi32>], vector<16xf32>,
    %eq3A_277 = arith.constant 1 : i32
    %eq3A_278 = arith.cmpi eq, %select_n3A_30, %eq3A_277 : i32
    %convert_element_type3A = arith.extui %eq3A_278 : i1 to i32
    %cond3A = arith.constant 0 : i32
    %cond3A_279 = arith.cmpi ne, %convert_element_type3A, %cond3A : i32
    scf.if %cond3A_279 {
      %mul3A_285 = arith.constant 16 : i32
      %mul3A_286 = arith.muli %arg0, %mul3A_285 : i32
      %add3A_287 = arith.constant 8 : i32
      %add3A_288 = arith.addi %add3A_287, %mul3A_286 : i32
      %add3A_289 = arith.addi %add3A_288, %arg1 : i32
      "tpu.region"() ({
        %run_scoped3A = tpu.sem_alloc : memref<!tpu.dma_semaphore, #tpu.memory_space<semaphore_mem>>
        %dma_start3A_290 = arith.constant 0 : i32
        %dma_start3A_291 = tpu.memref_slice %arg9[%add3A_289, %dma_start3A_290] : memref<40x16xf32, #tpu.memory_space<vmem_shared>> -> memref<1x16xf32, #tpu.memory_space<vmem_shared>>
        %dma_start3A_292 = tpu.memref_squeeze %dma_start3A_291 : memref<1x16xf32, #tpu.memory_space<vmem_shared>> -> memref<16xf32, #tpu.memory_space<vmem_shared>>
        %dma_start3A_293 = arith.constant 0 : i32
        %dma_start3A_294 = tpu.memref_slice %arg9[%add3A_289, %dma_start3A_293] : memref<40x16xf32, #tpu.memory_space<vmem_shared>> -> memref<1x16xf32, #tpu.memory_space<vmem_shared>>
        %dma_start3A_295 = tpu.memref_squeeze %dma_start3A_294 : memref<1x16xf32, #tpu.memory_space<vmem_shared>> -> memref<16xf32, #tpu.memory_space<vmem_shared>>
        tpu.enqueue_dma source(%arg7 : memref<16xf32, #tpu.memory_space<vmem>>) target(%dma_start3A_295 : memref<16xf32, #tpu.memory_space<vmem_shared>>) target_semaphore(%run_scoped3A : memref<!tpu.dma_semaphore, #tpu.memory_space<semaphore_mem>>)
        %dma_wait3A_296 = arith.constant 0 : i32
        %dma_wait3A_297 = tpu.memref_slice %arg9[%add3A_289, %dma_wait3A_296] : memref<40x16xf32, #tpu.memory_space<vmem_shared>> -> memref<1x16xf32, #tpu.memory_space<vmem_shared>>
        %dma_wait3A_298 = tpu.memref_squeeze %dma_wait3A_297 : memref<1x16xf32, #tpu.memory_space<vmem_shared>> -> memref<16xf32, #tpu.memory_space<vmem_shared>>
        %dma_wait3A_299 = arith.constant 0 : i32
        %dma_wait3A_300 = tpu.memref_slice %arg9[%add3A_289, %dma_wait3A_299] : memref<40x16xf32, #tpu.memory_space<vmem_shared>> -> memref<1x16xf32, #tpu.memory_space<vmem_shared>>
        %dma_wait3A_301 = tpu.memref_squeeze %dma_wait3A_300 : memref<1x16xf32, #tpu.memory_space<vmem_shared>> -> memref<16xf32, #tpu.memory_space<vmem_shared>>
        tpu.wait_dma2 semaphore(%run_scoped3A : memref<!tpu.dma_semaphore, #tpu.memory_space<semaphore_mem>>) src(%arg7 : memref<16xf32, #tpu.memory_space<vmem>>) dst(%dma_wait3A_301 : memref<16xf32, #tpu.memory_space<vmem_shared>>)
        tpu.yield
      }) : () -> ()
    } else {
    }
    %barrier3A = arith.constant 0 : index
    tpu.barrier barrier_id(%barrier3A)
    %eq3A_280 = arith.constant 0 : i32
    %eq3A_281 = arith.cmpi eq, %select_n3A_30, %eq3A_280 : i32
    %convert_element_type3A_282 = arith.extui %eq3A_281 : i1 to i32
    %cond3A_283 = arith.constant 0 : i32
    %cond3A_284 = arith.cmpi ne, %convert_element_type3A_282, %cond3A_283 : i32
    scf.if %cond3A_284 {
      %mul3A_285 = arith.constant 16 : i32
      %mul3A_286 = arith.muli %arg0, %mul3A_285 : i32
      %add3A_287 = arith.constant 8 : i32
      %add3A_288 = arith.addi %add3A_287, %mul3A_286 : i32
      %add3A_289 = arith.addi %add3A_288, %arg1 : i32
      %add3A_290 = arith.constant 1 : i32
      %add3A_291 = arith.addi %add3A_289, %add3A_290 : i32
      "tpu.region"() ({
        %run_scoped3A = tpu.sem_alloc : memref<!tpu.dma_semaphore, #tpu.memory_space<semaphore_mem>>
        %dma_start3A_304 = arith.constant 0 : i32
        %dma_start3A_305 = tpu.memref_slice %arg9[%add3A_291, %dma_start3A_304] : memref<40x16xf32, #tpu.memory_space<vmem_shared>> -> memref<1x16xf32, #tpu.memory_space<vmem_shared>>
        %dma_start3A_306 = tpu.memref_squeeze %dma_start3A_305 : memref<1x16xf32, #tpu.memory_space<vmem_shared>> -> memref<16xf32, #tpu.memory_space<vmem_shared>>
        %dma_start3A_307 = arith.constant 0 : i32
        %dma_start3A_308 = tpu.memref_slice %arg9[%add3A_291, %dma_start3A_307] : memref<40x16xf32, #tpu.memory_space<vmem_shared>> -> memref<1x16xf32, #tpu.memory_space<vmem_shared>>
        %dma_start3A_309 = tpu.memref_squeeze %dma_start3A_308 : memref<1x16xf32, #tpu.memory_space<vmem_shared>> -> memref<16xf32, #tpu.memory_space<vmem_shared>>
        tpu.enqueue_dma source(%dma_start3A_309 : memref<16xf32, #tpu.memory_space<vmem_shared>>) target(%arg8 : memref<16xf32, #tpu.memory_space<vmem>>) target_semaphore(%run_scoped3A : memref<!tpu.dma_semaphore, #tpu.memory_space<semaphore_mem>>)
        %dma_wait3A_310 = arith.constant 0 : i32
        %dma_wait3A_311 = tpu.memref_slice %arg9[%add3A_291, %dma_wait3A_310] : memref<40x16xf32, #tpu.memory_space<vmem_shared>> -> memref<1x16xf32, #tpu.memory_space<vmem_shared>>
        %dma_wait3A_312 = tpu.memref_squeeze %dma_wait3A_311 : memref<1x16xf32, #tpu.memory_space<vmem_shared>> -> memref<16xf32, #tpu.memory_space<vmem_shared>>
        %dma_wait3A_313 = arith.constant 0 : i32
        %dma_wait3A_314 = tpu.memref_slice %arg9[%add3A_291, %dma_wait3A_313] : memref<40x16xf32, #tpu.memory_space<vmem_shared>> -> memref<1x16xf32, #tpu.memory_space<vmem_shared>>
        %dma_wait3A_315 = tpu.memref_squeeze %dma_wait3A_314 : memref<1x16xf32, #tpu.memory_space<vmem_shared>> -> memref<16xf32, #tpu.memory_space<vmem_shared>>
        tpu.wait_dma2 semaphore(%run_scoped3A : memref<!tpu.dma_semaphore, #tpu.memory_space<semaphore_mem>>) src(%dma_wait3A_315 : memref<16xf32, #tpu.memory_space<vmem_shared>>) dst(%arg8 : memref<16xf32, #tpu.memory_space<vmem>>)
        tpu.yield
      }) : () -> ()
      %convert_element_type3A_292 = arith.sitofp %gather3A_48 : vector<16xi32> to vector<16xf32>
      %get3A_293 = arith.constant 0 : index
      %get3A_294 = tpu.vector_load %arg7[%get3A_293] {strides = array<i32>} : memref<16xf32, #tpu.memory_space<vmem>>, vector<16xf32>,
      %get3A_295 = arith.constant 0 : index
      %get3A_296 = tpu.vector_load %arg8[%get3A_295] {strides = array<i32>} : memref<16xf32, #tpu.memory_space<vmem>>, vector<16xf32>,
      %add3A_297 = arith.addf %get3A_294, %get3A_296 : vector<16xf32>
      %div3A_298 = arith.divf %add3A_297, %convert_element_type3A_292 : vector<16xf32>
      %swap3A_299 = arith.constant 0 : index
      %swap3A_300 = tpu.vector_load %arg7[%swap3A_299] {strides = array<i32>} : memref<16xf32, #tpu.memory_space<vmem>>, vector<16xf32>,
      tpu.vector_store %arg7[%swap3A_299], %div3A_298 {strides = array<i32>} : memref<16xf32, #tpu.memory_space<vmem>>, vector<16xf32>,
      %mul3A_301 = arith.constant 16 : i32
      %mul3A_302 = arith.muli %arg0, %mul3A_301 : i32
      %add3A_303 = arith.addi %mul3A_302, %arg1 : i32
      "tpu.region"() ({
        %run_scoped3A = tpu.sem_alloc : memref<!tpu.dma_semaphore, #tpu.memory_space<semaphore_mem>>
        %dma_start3A_304 = arith.constant 0 : i32
        %dma_start3A_305 = tpu.memref_slice %arg4[%add3A_303, %dma_start3A_304] : memref<32x16xf32, #tpu.memory_space<hbm>> -> memref<1x16xf32, #tpu.memory_space<hbm>>
        %dma_start3A_306 = tpu.memref_squeeze %dma_start3A_305 : memref<1x16xf32, #tpu.memory_space<hbm>> -> memref<16xf32, #tpu.memory_space<hbm>>
        %dma_start3A_307 = arith.constant 0 : i32
        %dma_start3A_308 = tpu.memref_slice %arg4[%add3A_303, %dma_start3A_307] : memref<32x16xf32, #tpu.memory_space<hbm>> -> memref<1x16xf32, #tpu.memory_space<hbm>>
        %dma_start3A_309 = tpu.memref_squeeze %dma_start3A_308 : memref<1x16xf32, #tpu.memory_space<hbm>> -> memref<16xf32, #tpu.memory_space<hbm>>
        tpu.enqueue_dma source(%arg7 : memref<16xf32, #tpu.memory_space<vmem>>) target(%dma_start3A_309 : memref<16xf32, #tpu.memory_space<hbm>>) target_semaphore(%run_scoped3A : memref<!tpu.dma_semaphore, #tpu.memory_space<semaphore_mem>>)
        %dma_wait3A_310 = arith.constant 0 : i32
        %dma_wait3A_311 = tpu.memref_slice %arg4[%add3A_303, %dma_wait3A_310] : memref<32x16xf32, #tpu.memory_space<hbm>> -> memref<1x16xf32, #tpu.memory_space<hbm>>
        %dma_wait3A_312 = tpu.memref_squeeze %dma_wait3A_311 : memref<1x16xf32, #tpu.memory_space<hbm>> -> memref<16xf32, #tpu.memory_space<hbm>>
        %dma_wait3A_313 = arith.constant 0 : i32
        %dma_wait3A_314 = tpu.memref_slice %arg4[%add3A_303, %dma_wait3A_313] : memref<32x16xf32, #tpu.memory_space<hbm>> -> memref<1x16xf32, #tpu.memory_space<hbm>>
        %dma_wait3A_315 = tpu.memref_squeeze %dma_wait3A_314 : memref<1x16xf32, #tpu.memory_space<hbm>> -> memref<16xf32, #tpu.memory_space<hbm>>
        tpu.wait_dma2 semaphore(%run_scoped3A : memref<!tpu.dma_semaphore, #tpu.memory_space<semaphore_mem>>) src(%arg7 : memref<16xf32, #tpu.memory_space<vmem>>) dst(%dma_wait3A_315 : memref<16xf32, #tpu.memory_space<hbm>>)
        tpu.yield
      }) : () -> ()
    } else {
    }
    return
  }
}

</mosaic_0001>

<sc_bundles>
// kernel: _center.3.cloned.1.call-start
scs
__scs_entry_jumppad:
0x0: {  	(pc) =	sbr.rel $0x88, $3  }
0x1: {  	(tag) =	ssettag $0x0;
	lr =	simm.s32 $0x1  }
0x2: {  	[smem:$0x3F9F] =	sst lr;
	_ =	strace $0xD0000000  }
0x3: {  	_ = 	snop  }
0x4: {  	_ = 	snop  }
0x5: {  	_ = 	snop  }
0x6: {  	_ = 	snop  }
0x7: {  	_ = 	snop  }
__scs_overlays_trampoline_lowered:
0x8: {  	[smem:$0x3FAE] =	sst s0  }
0x9: {  	[smem:$0x3FAF] =	sst s1  }
0xa: {  	[smem:$0x3FB0] =	sst s2  }
0xb: {  	[smem:$0x3FB1] =	sst s3  }
0xc: {  	[smem:$0x3FB2] =	sst s4  }
0xd: {  	[smem:$0x3FB3] =	sst s5  }
0xe: {  	[smem:$0x3FB4] =	sst s6  }
0xf: {  	[smem:$0x3FB5] =	sst s7  }
0x10: {  	[smem:$0x3FB6] =	sst s8  }
0x11: {  	[smem:$0x3FB7] =	sst s9;
	s0 =	simm.s32 @!p0 $0x0  }
0x12: {  	s1 =	sld [smem:$0x3F9D];
	s0 =	simm.s32 @p0 $0x1  }
0x13: {  	[smem:$0x3FB8] =	sst s0;
	s0 =	simm.s32 @!p1 $0x0  }
0x14: {  	s2 =	sld [smem:$0x3F9C];
	s0 =	simm.s32 @p1 $0x1  }
0x15: {  	[smem:$0x3FB9] =	sst s0;
	s0 =	simm.s32 @!p2 $0x0  }
0x16: {  	s3 =	sld [smem:$0x3FDB];
	s0 =	simm.s32 @p2 $0x1  }
0x17: {  	s4 =	simm.s32 $0x1BF5;
	[smem:$0x3FBB] =	sst s0  }
0x18: {  	s0 =	sld [smem:$0x3F9E];
	_ =	swait.ge [sflag:s4], $0x0  }
0x19: {  	s7 =	sld [smem:$0x3F9F]  }
0x1a: {  	s8 =	sadd.s32 $0xFFFFE003, lr  }
0x1b: {  	s9 =	sadd.s32 $0xFFFFFEF7, lr;
	s5 =	simm.s32 $0xFFFFFFFF;
	p2 =	slt.u32 s8, $0xFFFFF086  }
0x1c: {  	p1 =	slt.u32 s9, $0xF7A;
	s5 =	simm.s32 @!p2 $0x0  }
0x1d: {  	s5 =	simm.s32 @p1 $0x1;
	p0 =	seq.s32 s7, s2  }
0x1e: {  	s7 =	smul.u32 @!p0 $0xF7A, s2;
	p2 =	seq.s32 @!p0 s5, $0x0  }
0x1f: {  	s9 =	smul.u32 $0xF7A, s1;
	s8 =	simm.s32 @!p0 $0x1BF5;
	p2 =	por !p2, p0  }
0x20: {  	[sflag:s8] =	ssyncset.s32 @!p0 $0xFFFFF086;
	s6 =	sadd.s32 @!p0 s3, s7;
	s7 =	simm.s32 @!p0 $0x108  }
0x21: {  	s3 =	sadd.s32 s3, s9;
	s6 =	sadd.s32 @!p0 $0x88, s6;
	s7 =	simm.s32 @p2 $0x1082  }
0x22: {  	[simem:s7], [sflag:s8] =	dma.local @!p0 [hbm:s6], $0xF7A  }
0x23: {  	s9 =	sor.u32 $0xD0000000, s2;
	s6 =	simm.s32 $0x108;
	_ =	swait.ge @!p0 [sflag:s8], $0x0  }
0x24: {  	s3 =	sadd.s32 $0x88, s3;
	s6 =	simm.s32 @!p1 $0x1082;
	[sflag:s4] =	ssyncset.s32 $0xFFFFF086  }
0x25: {  	[simem:s6], [sflag:s4] =	dma.local [hbm:s3], $0xF7A  }
0x26: {  	[smem:$0x3F9F] =	sst s1;
	(tag) =	ssettag s2;
	_ =	strace s9  }
0x27: {  	s1 =	sld [smem:$0x3FAF]  }
0x28: {  	s2 =	sld [smem:$0x3FB0]  }
0x29: {  	s4 =	sld [smem:$0x3FB2]  }
0x2a: {  	p0 =	seq.s32 s5, $0x0;
	s5 =	sld [smem:$0x3FB3]  }
0x2b: {  	s6 =	sld [smem:$0x3FB4]  }
0x2c: {  	s7 =	sld [smem:$0x3FB5]  }
0x2d: {  	s3 =	simm.s32 $0x108;
	s8 =	sld [smem:$0x3FB6]  }
0x2e: {  	s3 =	simm.s32 @!p0 $0x1082;
	s9 =	sld [smem:$0x3FB7]  }
0x2f: {  	lr =	sadd.s32 s0, s3;
	s0 =	sld [smem:$0x3FAE]  }
0x30: {  	s3 =	sld [smem:$0x3FB1]  }
0x31: {  	[smem:$0x3FBA] =	sst s10  }
0x32: {  	s10 =	sld [smem:$0x3FB8];
	_ =	sdelay $0x3  }
0x33: {  	p0 =	seq.s32 s10, $0x1;
	s10 =	sld [smem:$0x3FBA];
	_ =	sdelay $0x3  }
0x34: {  	[smem:$0x3FBA] =	sst s10  }
0x35: {  	s10 =	sld [smem:$0x3FB9];
	_ =	sdelay $0x3  }
0x36: {  	p1 =	seq.s32 s10, $0x1;
	s10 =	sld [smem:$0x3FBA];
	_ =	sdelay $0x3  }
0x37: {  	[smem:$0x3FBA] =	sst s10  }
0x38: {  	s10 =	sld [smem:$0x3FBB]  }
0x39: {  	_ = 	snop;
	(pc) =	sbr.ind lr, $3  }
0x3a: {  	_ = 	snop  }
0x3b: {  	_ = 	snop  }
0x3c: {  	p2 =	seq.s32 s10, $0x1;
	s10 =	sld [smem:$0x3FBA]  }
0x3d: {  	_ =	shalt  }
0x3e: {  	_ =	shalt  }
0x3f: {  	_ =	shalt  }
0x40: {  	_ =	shalt  }
0x41: {  	_ =	shalt  }
0x42: {  	_ =	shalt  }
0x43: {  	_ =	shalt  }
0x44: {  	_ =	shalt  }
0x45: {  	_ =	shalt  }
0x46: {  	_ =	shalt  }
0x47: {  	_ =	shalt  }
0x48: {  	_ =	shalt  }
0x49: {  	_ =	shalt  }
0x4a: {  	_ =	shalt  }
0x4b: {  	_ =	shalt  }
0x4c: {  	_ =	shalt  }
0x4d: {  	_ =	shalt  }
0x4e: {  	_ =	shalt  }
0x4f: {  	_ =	shalt  }
0x50: {  	_ =	shalt  }
0x51: {  	_ =	shalt  }
0x52: {  	_ =	shalt  }
0x53: {  	_ =	shalt  }
0x54: {  	_ =	shalt  }
0x55: {  	_ =	shalt  }
0x56: {  	_ =	shalt  }
0x57: {  	_ =	shalt  }
0x58: {  	_ =	shalt  }
0x59: {  	_ =	shalt  }
0x5a: {  	_ =	shalt  }
0x5b: {  	_ =	shalt  }
0x5c: {  	_ =	shalt  }
0x5d: {  	_ =	shalt  }
0x5e: {  	_ =	shalt  }
0x5f: {  	_ =	shalt  }
0x60: {  	_ =	shalt  }
0x61: {  	_ =	shalt  }
0x62: {  	_ =	shalt  }
0x63: {  	_ =	shalt  }
0x64: {  	_ =	shalt  }
0x65: {  	_ =	shalt  }
0x66: {  	_ =	shalt  }
0x67: {  	_ =	shalt  }
0x68: {  	_ =	shalt  }
0x69: {  	_ =	shalt  }
0x6a: {  	_ =	shalt  }
0x6b: {  	_ =	shalt  }
0x6c: {  	_ =	shalt  }
0x6d: {  	_ =	shalt  }
0x6e: {  	_ =	shalt  }
0x6f: {  	_ =	shalt  }
0x70: {  	_ =	shalt  }
0x71: {  	_ =	shalt  }
0x72: {  	_ =	shalt  }
0x73: {  	_ =	shalt  }
0x74: {  	_ =	shalt  }
0x75: {  	_ =	shalt  }
0x76: {  	_ =	shalt  }
0x77: {  	_ =	shalt  }
0x78: {  	_ =	shalt  }
0x79: {  	_ =	shalt  }
0x7a: {  	_ =	shalt  }
0x7b: {  	_ =	shalt  }
0x7c: {  	_ =	shalt  }
0x7d: {  	_ =	shalt  }
0x7e: {  	_ =	shalt  }
0x7f: {  	_ =	shalt  }
0x80: {  	_ =	shalt  }
0x81: {  	_ =	shalt  }
0x82: {  	_ =	shalt  }
0x83: {  	_ =	shalt  }
0x84: {  	_ =	shalt  }
0x85: {  	_ =	shalt  }
0x86: {  	_ =	shalt  }
0x87: {  	_ =	shalt  }
.Lfunc_end0:
.L_simem_size_0:
called_computation_lowered:
.L_overlay_start_0:
0x88: {  	s2 =	sld [smem:$0x3FD9]  }
0x89: {  	s3 =	sld [smem:$0x3FFE];
	_ =	sdelay $0x1  }
0x8a: {  	s1 =	srdreg.scid  }
0x8b: {  	s0 =	sand.u32 $0x1, s1  }
0x8c: {  	s17 =	sshll.u32 s0, $0xA;
	s2 =	sadd.s32 s3, s2  }
0x8d: {  	s2 =	sadd.s32 s2, s17  }
0x8e: {  	[smem:$0x3FC6] =	sst s2  }
0x8f: {  	_ = 	snop  }
0x90: {  	s2 =	sld [smem:$0x3FC9]  }
0x91: {  	s18 =	sld [smem:$0x3FC8];
	(tm) =	ssettm $0x1  }
0x92: {  	s4 =	sld [smem:$0x3FFB];
	_ =	sdelay $0x3  }
0x93: {  	_ =	strace s4  }
0x94: {  	s4 =	sld [smem:$0x3FFC];
	_ =	sdelay $0x3  }
0x95: {  	_ =	strace s4  }
0x96: {  	s4 =	sld [smem:$0x3FFD];
	_ =	sdelay $0x3  }
0x97: {  	_ =	strace s4  }
0x98: {  	_ =	strace $0x8FFFFFFF  }
0x99: {  	s19 =	sld [smem:$0x3FDB];
	_ =	sdelay $0x1  }
0x9a: {  	s5 =	simm.s32 $_scs_section_size  }
0x9b: {  	s6 =	simm.s32 $_size__tile_overlayer_lowered;
	s7 =	simm.s32 $_tile_overlayer_lowered  }
0x9c: {  	s22 =	simm.s32 $0x1BFF;
	s21 =	sshll.u32 s7, $0x1;
	s4 =	sadd.s32 s5, s19  }
0x9d: {  	s8 =	simm.s32 $0x0;
	s20 =	sshll.u32 s6, $0x1;
	s6 =	sadd.s32 s21, s4  }
0x9e: {  	[timem:s8], [sflag:s22] =	dma.local [hbm:s6], s20  }
0x9f: {  	_ =	swait.ge [sflag:s22], s20  }
0xa0: {  	s5 =	ssub.s32 $0x0, s20;
	[sflag:s22] =	ssyncset.done $0x0  }
0xa1: {  	[sflag:s22] =	ssyncadd.s32 s5;
	_ =	sdelay $0x1  }
0xa2: {  	s23 =	simm.s32 $0x1B8B  }
0xa3: {  	_ =	swait.ge [sflag:s23], $0x1  }
0xa4: {  	[sflag:s23] =	ssyncset.done $0x0  }
0xa5: {  	s25 =	simm.s32 $0x1B8E;
	s24 =	sld [smem:$0x3FFE];
	[sflag:s23] =	ssyncadd.s32 $0xFFFFFFFF  }
0xa6: {  	s26 =	simm.s32 $execute0_lowered;
	[smem:$0x3FD2] =	sst s25  }
0xa7: {  	s6 =	sshll.u32 s26, $0x1;
	_ =	strace $0x80000046;
	[dreg:$0x1] =	wrdreg $0xFFFFFFFF  }
0xa8: {  	s28 =	simm.s32 $_size_execute0_lowered;
	s4 =	sadd.s32 s4, s6;
	[dreg:$0x0] =	wrdreg $0x0  }
0xa9: {  	s6 =	sshll.u32 s28, $0x1;
	[dreg:$0x2] =	wrdreg s4  }
0xaa: {  	[dreg:$0x3] =	wrdreg s6  }
0xab: {  	[dreg:$0x4] =	wrdreg $0xC0  }
0xac: {  	_ =	task [dreg:s8], $0x5FFFF  }
0xad: {  	[dreg:$0x1] =	wrdreg $0xFFFFFFFF  }
0xae: {  	[dreg:$0x0] =	wrdreg $0x60  }
0xaf: {  	[dreg:$0x2] =	wrdreg s2  }
0xb0: {  	[dreg:$0x3] =	wrdreg s18  }
0xb1: {  	[dreg:$0x4] =	wrdreg s24  }
0xb2: {  	[dreg:$0x5] =	wrdreg $0x19800  }
0xb3: {  	[dreg:$0x6] =	wrdreg $0x9  }
0xb4: {  	_ =	task.clear_ibuf [dreg:s8], $0x7FFFF;
	_ =	strace $0x90000046  }
0xb5: {  	s29 =	simm.s32 $0x9;
	_ =	strace $0x80000048  }
0xb6: {  	_ =	swait.ge [sflag:s29], $0x1  }
0xb7: {  	[sflag:s29] =	ssyncadd.s32 $0xFFFFFFFF  }
0xb8: {  	_ =	strace $0x90000048  }
0xb9: {  	_ =	sfence  }
0xba: {  	s30 =	sld [smem:$0x0];
	_ =	sdelay $0x2  }
0xbb: {  	s31 =	sshll.u32 s1, $0xD;
	s1 =	sshrl.u32 s1, $0x2  }
0xbc: {  	s3 =	sand.u32 $0x4000, s31;
	s1 =	sadd.s32 s1, s30  }
0xbd: {  	s0 =	sor.u32 s3, s0;
	s1 =	sshll.u32 s1, $0x11  }
0xbe: {  	s0 =	sor.u32 s1, s0  }
0xbf: {  	s0 =	sadd.s32 $0x8F2B, s0  }
0xc0: {  	[sflag:s0] =	ssyncadd.remote.s32 $0x1  }
0xc1: {  	_ =	sfence.sel $0xFFFF  }
0xc2: {  	[dreg:$0x0] =	wrdreg $0xFFFFFFFF;
	(pc) =	sbr.abs _section_cstart, $3  }
0xc3: {  	[dreg:$0x1] =	wrdreg $0xFFFFFFFF  }
0xc4: {  	_ =	task.clear_ibuf [dreg:s8], $0x2FFFF;
	_ =	strace $0x9FFFFFFF  }
0xc5: {  	(tm) =	ssettm $0x7FFFFFFF  }
tec
execute0_lowered:
.L_overlay_start_1:
0x0: {  	(tag) =	ssettag $0x1  }
0x1: {  	s4 =	rddreg [dreg:$0x0]  }
0x2: {  	s1 =	rddreg [dreg:$0x1]  }
0x3: {  	s5 =	rddreg [dreg:$0x2]  }
0x4: {  	s6 =	rddreg [dreg:$0x3]  }
0x5: {  	s0 =	rddreg [dreg:$0x4]  }
0x6: {  	s3 =	simm.s32 $0x0;
	s7 =	srdreg.scid;
	s2 =	stileid.u32  }
0x7: {  	s15 =	simm.s32 $0x0;
	[smem:$0x7FF] =	sst s3;
	s7 =	sand.u32 $0x1, s7  }
0x8: {  	s8 =	sshll.u32 s2, $0x4;
	s14 =	sand.u32 $0x1, s2;
	s11 =	sshrl.u32 s2, $0x1  }
0x9: {  	s30 =	sshll.u32 s2, $0x7;
	s9 =	smul.u32 $0x18000, s7;
	_ =	strace $0x80000047  }
0xa: {  	s8 =	sand.u32 $0x60, s8;
	s10 =	smul.u32 $0xC000, s14;
	s23 =	ssub.s32 $0x2, s7  }
0xb: {  	s24 =	sshll.u32 s11, $0x7;
	s25 =	sshll.u32 s7, $0x3;
	s13 =	smul.u32 $0xFFFFE800, s14  }
0xc: {  	s26 =	sshll.u32 s7, $0xB;
	s7 =	sshll.u32 s7, $0x4;
	p0 =	seq.s32 s14, $0x0  }
0xd: {  	v0 =	vimm.s32 $0x24924924;
	v1 =	vimm.s32 $0x49249249;
	s14 =	simm.s32 $0x1880;
	s5 =	sadd.s32 s8, s5;
	s12 =	sshrl.u32 s23, $0x1  }
0xe: {  	v2 =	vimm.s32 $0x92492492;
	v0 =	vunpack.c.l.s2.s4 v0;
	v1 =	vunpack.c.l.s2.s4 v1;
	s11 =	sor.u32 s11, s25;
	s7 =	sor.u32 s2, s7;
	s28 =	sadd.s32 s26, s6  }
0xf: {  	v2 =	vunpack.c.l.s2.s4 v2;
	s9 =	sadd.s32 s9, s10;
	s8 =	ssub.s32 s23, s12;
	s29 =	sshll.u32 s7, $0x4  }
0x10: {  	v3 =	vunpack.c.l.s4.s8 v0;
	v1 =	vunpack.c.l.s4.s8 v1;
	s7 =	sshll.u32 s7, $0x7;
	v0 =	vmov s11;
	s11 =	simm.s32 $0x1800;
	s12 =	simm.s32 $0x2  }
.Ltmp0:
0x11: {  	v2 =	vunpack.c.l.s4.s8 v2;
	s9 =	sor.u32 s24, s9;
	s10 =	sand.u32 $0x180, s29;
	(pc) =	sbr.rel .LBB2_1-.Ltmp0, $4  }
0x12: {  	s6 =	sadd.s32 s6, s7;
	s8 =	smax.u32 s8, $0x1;
	v5 =	vunpack.c.0.s8.s32 v1;
	v1 =	vmov s13;
	s13 =	simm.s32 $0x1  }
0x13: {  	v4 =	vunpack.c.0.s8.s32 v3;
	v6 =	vunpack.c.0.s8.s32 v2;
	s9 =	sshrl.u32 s9, $0x3;
	s31 =	sadd.s32 s10, s5;
	s6 =	sadd.s32 $0x480, s6  }
0x14: {  	v2 =	vlaneseq.u32;
	v3 =	vimm.f32 $0.0e+00;
	s10 =	simm.s32 $0x400;
	s4 =	sadd.s32 s4, s9;
	s9 =	sadd.s32 s30, s28  }
0x15: {  	s7 =	sadd.s32 $0x400, s31;
	v4 =	vand.u32 $0x3, v4;
	v5 =	vand.u32 $0x3, v5;
	v6 =	vand.u32 $0x3, v6;
	s5 =	sadd.s32 $0x400, s9;
	s9 =	simm.s32 $0x80  }
.LBB2_4:
0x16: {  	v11 =	vadd.f32 v10, v11  }
0x17: {  	v10 =	vadd.f32 v12, v15;
	v13 =	vadd.f32 v13, v17  }
0x18: {  	v12 =	vadd.f32 v14, v18;
	v14 =	vadd.f32 v16, v19  }
.LBB2_5:
0x19: {  	p1 =	slt.s32 s16, $0x3F  }
0x1a: {  	s17 =	smul.u32 $0x60, s16;
	s16 =	simm.s32 @!p1 $0x3F  }
0x1b: {  	s16 =	smul.u32 $0x60, s16;
	_ =	sdelay $0x1  }
0x1c: {  	v15 =	vld [tilespmem:s16+$0x0]  }
0x1d: {  	v16 =	vld [tilespmem:s16+$0x10]  }
0x1e: {  	v57 =	vld [tilespmem:s16+$0x20]  }
0x1f: {  	v17 =	vor.u32 s16, v2;
	v58 =	vld [tilespmem:s16+$0x30]  }
0x20: {  	s18 =	sor.u32 $0x10, s16;
	s29 =	sadd.s32 $0x20, s16;
	v20 =	vld [tilespmem:s16+$0x40];
	vm0 =	vlt.s32 v17, v8  }
0x21: {  	s30 =	sadd.s32 $0x30, s16;
	s31 =	sadd.s32 $0x40, s16;
	v21 =	vld [tilespmem:s16+$0x50];
	s16 =	sadd.s32 $0x50, s16;
	v18 =	vor.u32 s18, v2;
	vm1 =	vge.s32 v17, s17;
	v19 =	vor.u32 s29, v2  }
0x22: {  	v59 =	vor.u32 s30, v2;
	v60 =	vor.u32 s31, v2;
	v61 =	vor.u32 s16, v2  }
0x23: {  	vm2 =	vlt.s32 v18, v8;
	vm3 =	vge.s32 v18, s17;
	vm0 =	vmand vm0, vm1  }
0x24: {  	vm7 =	vlt.s32 v19, v8;
	vm8 =	vge.s32 v19, s17;
	vm9 =	vlt.s32 v59, v8  }
0x25: {  	vm10 =	vge.s32 v59, s17;
	vm12 =	vlt.s32 v60, v8;
	vm13 =	vge.s32 v60, s17  }
0x26: {  	vm14 =	vlt.s32 v61, v8;
	vm15 =	vge.s32 v61, s17;
	vm6 =	vmand vm2, vm3  }
0x27: {  	vm11 =	vmand vm9, vm10;
	v15 =	vnsel vm0, $0x0, v15;
	vm0 =	vmand vm7, vm8  }
0x28: {  	v16 =	vnsel vm6, $0x0, v16;
	v18 =	vnsel vm11, $0x0, v58;
	v17 =	vnsel vm0, $0x0, v57  }
0x29: {  	v14 =	vadd.f32 v15, v14;
	vm0 =	vmand vm12, vm13;
	v11 =	vadd.f32 v16, v11  }
0x2a: {  	v13 =	vadd.f32 v18, v13;
	v8 =	vnsel vm0, $0x0, v20;
	vm0 =	vmand vm14, vm15  }
0x2b: {  	v10 =	vadd.f32 v17, v10;
	v8 =	vadd.f32 v8, v12;
	v62 =	vnsel vm0, $0x0, v21  }
0x2c: {  	v63 =	vadd.f32 v13, v14;
	v9 =	vadd.f32 v62, v9  }
0x2d: {  	[tilespmem:$0x1880] =	vst v3;
	v8 =	vadd.f32 v8, v11  }
0x2e: {  	[tilespmem:v4+s14+$0x0] =	vst.idx.add.f32.msk $0xffff, v63;
	v9 =	vadd.f32 v9, v10  }
0x2f: {  	[tilespmem:v5+s14+$0x0] =	vst.idx.add.f32.msk $0xffff, v8  }
0x30: {  	[tilespmem:v6+s14+$0x0] =	vst.idx.add.f32.msk $0xffff, v9  }
0x31: {  	s16 =	simm.s32 @p0 $0x1900;
	[bflag:$0x0] =	sbarrier.arrive @p0 $0xFFFF  }
0x32: {  	[tilespmem:s16], [sflag:$0x2] =	stream.linear.gather @p0 [spmem:s6], $0x80, $0x38;
	[tilespmem:$0x19A8] =	vst v63  }
0x33: {  	v7 =	vcvt.s32.f32 @p0 v7;
	s16 =	simm.s32 @p0 $0x2  }
0x34: {  	_ =	swait.ge @p0 [sflag:s16], $0x80  }
0x35: {  	[sflag:s16] =	ssyncset.done @p0 $0x0;
	(erf) = vrcp.f32 @p0 v7  }
0x36: {  	[sflag:s16] =	ssyncadd.s32 @p0 $0xFFFFFF80  }
0x37: {  	v7 =	vld @p0 [tilespmem:$0x1880]  }
0x38: {  	v8 =	vld @p0 [tilespmem:$0x1900];
	_ =	sdelay $0x4  }
0x39: {  	v7 =	vadd.f32 @p0 v8, v7  }
0x3a: {  	v8 =	vpop @p0 (erf)  }
0x3b: {  	v7 =	vmul.f32 @p0 v7, v8;
	_ =	sdelay $0x1  }
0x3c: {  	s18 =	simm.s32 @p0 $0x1880;
	s17 =	simm.s32 @p0 $0x0;
	[tilespmem:$0x1880] =	vst @p0 v7  }
0x3d: {  	[hbm4b:s7+s17] =	stream.linear.scatter @p0 [tilespmem:s18], [sflag:$0x2], $0x80, $0x38;
	[tilespmem:$0x19A8] =	vst v63  }
0x3e: {  	_ =	swait.ge @p0 [sflag:s16], $0x80  }
0x3f: {  	[sflag:s16] =	ssyncset.done @p0 $0x0  }
0x40: {  	s15 =	sadd.s32 $0x1, s15;
	[sflag:s16] =	ssyncadd.s32 @p0 $0xFFFFFF80;
	s16 =	simm.s32 @!p0 $0x1880  }
0x41: {  	[spmem:s5] =	stream.linear.scatter @!p0 [tilespmem:s16], [sflag:$0x2], $0x80, $0x38;
	[tilespmem:$0x19A8] =	vst v63  }
0x42: {  	p1 =	sne.s32 s15, s8;
	s16 =	simm.s32 @!p0 $0x2  }
.Ltmp1:
0x43: {  	_ =	swait.ge @!p0 [sflag:s16], $0x80;
	(pc) =	sbr.rel @!p1 .LBB2_6-.Ltmp1, $3  }
0x44: {  	[sflag:s16] =	ssyncset.done @!p0 $0x0  }
0x45: {  	[sflag:s16] =	ssyncadd.s32 @!p0 $0xFFFFFF80  }
0x46: {  	[bflag:$0x0] =	sbarrier.arrive @!p0 $0xFFFF;
	_ =	sdelay $0x1  }
.LBB2_1:
0x47: {  	[tilespmem:s3], [sflag:$0x1] =	stream.strided.gather [hbm4b:s4+s9], $0x1800, s10, s9, $0x38;
	[tilespmem:$0x19A8] =	vst v63  }
0x48: {  	_ = 	snop  }
0x49: {  	[tilespmem:s11], [sflag:$0x2] =	stream.linear.gather [hbm4b:s1+s3], $0x80, $0x38;
	[tilespmem:$0x19A8] =	vst v63  }
0x4a: {  	_ =	swait.ge [sflag:s12], $0x80  }
0x4b: {  	[sflag:s12] =	ssyncset.done $0x0  }
0x4c: {  	[sflag:s12] =	ssyncadd.s32 $0xFFFFFF80  }
0x4d: {  	v7 =	vld [tilespmem:$0x1800];
	_ =	sdelay $0x4  }
0x4e: {  	v7 =	vperm.xlane v7, v0;
	_ =	sdelay $0x1  }
0x4f: {  	v8 =	vmul.u32 $0x3, v7;
	_ =	sdelay $0x1  }
0x50: {  	v8 =	vadd.s32 v1, v8  }
0x51: {  	(v2sf) =	vpush v8, $0x0;
	_ =	sdelay $0xe  }
0x52: {  	s16 =	spop (v2sf)  }
0x53: {  	p1 =	sgt.s32 s16, $0x0  }
0x54: {  	p2 =	slt.s32 s16, $0x1;
	s16 =	simm.s32 @!p1 $0x0  }
0x55: {  	s16 =	smin.u32 s16, $0x1800  }
0x56: {  	s17 =	smul.u32 $0xFFFFAAAB, s16;
	_ =	sdelay $0x1  }
0x57: {  	s18 =	sand.u32 $0xFFE0, s17  }
0x58: {  	s17 =	sshll.u32 s17, $0xB;
	s18 =	sshrl.u32 s18, $0x5  }
0x59: {  	s17 =	sor.u32 s17, s18  }
0x5a: {  	s17 =	sand.u32 $0xFFFF, s17  }
0x5b: {  	p6 =	sgt.u32 s17, $0x2AA  }
0x5c: {  	s16 =	smul.u32 $0xAAB, s16;
	p1 =	por !p2, !p6  }
0x5d: {  	s17 =	simm.s32 $0x1;
	p1 =	por !p1, !p1  }
0x5e: {  	s16 =	sshrl.u32 s16, $0x12;
	s17 =	simm.s32 @!p1 $0x0  }
0x5f: {  	s16 =	ssub.s32 s16, s17  }
0x60: {  	p1 =	slt.s32 s16, $0x1  }
.Ltmp2:
0x61: {  	_ = 	snop;
	(pc) =	sbr.rel @p1 .LBB2_5-.Ltmp2, $4  }
0x62: {  	_ = 	snop  }
0x63: {  	_ =	swait.ge [sflag:s13], $0x1800  }
0x64: {  	v14 =	vimm.f32 $0.0e+00;
	v11 =	vimm.f32 $0.0e+00;
	v10 =	vimm.f32 $0.0e+00;
	[sflag:s13] =	ssyncset.done $0x0  }
0x65: {  	v13 =	vimm.f32 $0.0e+00;
	v12 =	vimm.f32 $0.0e+00;
	v9 =	vimm.f32 $0.0e+00;
	[sflag:s13] =	ssyncadd.s32 $0xFFFFE800;
	s18 =	simm.s32 $0x30  }
0x66: {  	v9 =	vld [tilespmem:s18+$0x20]  }
0x67: {  	v10 =	vld [tilespmem:s18+$0xFFFFFFE0]  }
0x68: {  	v12 =	vld [tilespmem:s18+$0xFFFFFFF0];
	p1 =	sne.s32 s16, $0x1  }
.Ltmp3:
0x69: {  	v13 =	vld [tilespmem:s18+$0x0];
	(pc) =	sbr.rel @!p1 .LBB2_4-.Ltmp3, $4  }
0x6a: {  	v14 =	vld [tilespmem:s18+$0x10]  }
0x6b: {  	v16 =	vld [tilespmem:s18+$0xFFFFFFD0]  }
0x6c: {  	v11 =	vimm.f32 $0.0e+00;
	v15 =	vimm.f32 $0.0e+00;
	v17 =	vimm.f32 $0.0e+00  }
0x6d: {  	s17 =	sadd.s32 $0xFFFFFFFF, s16;
	s18 =	sadd.s32 $0x60, s18;
	v18 =	vimm.f32 $0.0e+00;
	v19 =	vimm.f32 $0.0e+00;
	v9 =	vadd.f32 v9, v3  }
.LBB2_3:
0x6e: {  	v20 =	vld [tilespmem:s18+$0x20];
	p1 =	sne.s32 s17, $0x1;
	s17 =	sadd.s32 $0xFFFFFFFF, s17;
	v11 =	vadd.f32 v10, v11  }
.Ltmp4:
0x6f: {  	v15 =	vadd.f32 v12, v15;
	v10 =	vld [tilespmem:s18+$0xFFFFFFE0];
	(pc) =	sbr.rel @p1 .LBB2_3-.Ltmp4, $4  }
0x70: {  	v17 =	vadd.f32 v13, v17;
	v12 =	vld [tilespmem:s18+$0xFFFFFFF0]  }
0x71: {  	v18 =	vadd.f32 v14, v18;
	v13 =	vld [tilespmem:s18+$0x0]  }
0x72: {  	v19 =	vadd.f32 v16, v19;
	v14 =	vld [tilespmem:s18+$0x10]  }
0x73: {  	v16 =	vld [tilespmem:s18+$0xFFFFFFD0];
	v9 =	vadd.f32 v20, v9;
	s18 =	sadd.s32 $0x60, s18  }
.Ltmp5:
0x74: {  	_ = 	snop;
	(pc) =	sbr.rel .LBB2_4-.Ltmp5, $1  }
0x75: {  	_ =	sdelay $0x3  }
.LBB2_6:
0x76: {  	_ =	sfence.sel $0x180000  }
0x77: {  	[bflag:$0x0] =	sbarrier.arrive $0xFFFF  }
0x78: {  	p0 =	sne.s32 s2, $0x0;
	_ =	strace $0x90000047  }
0x79: {  	s0 =	sadd.s32 @!p0 $0x100000, s0;
	[bflag:$0x2] =	sbarrier.arrive $0xFFFF  }
0x7a: {  	[sflag:s0] =	ssyncadd.tile.s32 @!p0 $0x1;
	_ =	shalt  }
.Lfunc_end2:
_tile_overlayer_lowered:
.L_overlay_start_2:
0x7b: {  	(tag) =	ssettag $0x2  }
0x7c: {  	s0 =	rddreg [dreg:$0x0];
	s2 =	stileid.u32  }
0x7d: {  	s1 =	rddreg [dreg:$0x1];
	p0 =	sne.s32 s2, $0x0  }
0x7e: {  	s3 =	rddreg [dreg:$0x2];
	[bflag:$0x3] =	sbarrier.arrive $0xFFFF;
	s2 =	simm.s32 @!p0 $0x1C02  }
0x7f: {  	[timem:s3], [sflag:s2] =	dma.local @!p0 [hbm:s0], s1  }
0x80: {  	s0 =	simm.s32 @!p0 $0x2  }
0x81: {  	_ =	swait.ge @!p0 [sflag:s0], s1  }
0x82: {  	s1 =	ssub.s32 @!p0 $0x0, s1;
	[sflag:s0] =	ssyncset.done @!p0 $0x0  }
0x83: {  	[sflag:s0] =	ssyncadd.s32 @!p0 s1  }
0x84: {  	[bflag:$0x3] =	sbarrier.arrive $0xFFFF  }
0x85: {  	_ =	shalt  }

</sc_bundles>
